<compile_context>
chip_gen: v7x
topology: tpu7x:2x2x1
jax: 0.10.2.dev20260603
libtpu: 0.0.44.dev20260713+nightly
codegen_flags: <defaults>
</compile_context>

<pallas_src>
import functools

import jax
import jax.numpy as jnp
from jax import lax
from jax.experimental import pallas as pl
from jax.experimental.pallas import tpu as pltpu
from jax.experimental.pallas import tpu_sc as plsc

_NC = 2
_NS = 16
_NW = _NC * _NS
_L = 16

_CHUNK = 128


def _tt_kernel(n_total, ntok, embed, nbits_words,
               x_hbm, tok_hbm, delta_hbm, w_hbm, zeros_hbm, out_hbm,
               idx_v, rows_v, tok_v, delta_v, bitmap_v, sem, zsem):
    wid = lax.axis_index("s") * _NC + lax.axis_index("c")
    n_per_w = n_total // _NW
    n_chunks = n_per_w // _CHUNK

    zcopy = pltpu.async_copy(zeros_hbm, bitmap_v, zsem)
    pltpu.sync_copy(tok_hbm, tok_v)
    pltpu.sync_copy(delta_hbm, delta_v)
    zcopy.wait()

    lane = lax.iota(jnp.int32, _L)

    def set_bit(t, _):
        tok = tok_v[pl.ds((t // _L) * _L, _L)]
        w = lax.shift_right_logical(tok, 5)
        b = lax.shift_left(jnp.int32(1), jnp.bitwise_and(tok, 31))
        one = lane == (t % _L)
        old = plsc.load_gather(bitmap_v, [w], mask=one)
        plsc.store_scatter(bitmap_v, [w], old | b, mask=one)
        return 0

    lax.fori_loop(0, ntok, set_bit, 0)

    def do_chunk(c, _):
        base = wid * n_per_w + c * _CHUNK
        pltpu.sync_copy(x_hbm.at[pl.ds(base, _CHUNK)], idx_v)
        pltpu.async_copy(w_hbm.at[idx_v], rows_v, sem).wait()

        def check_vec(v, _):
            xv = idx_v[pl.ds(v * _L, _L)]
            w = lax.shift_right_logical(xv, 5)
            b = lax.shift_left(jnp.int32(1), jnp.bitwise_and(xv, 31))
            hit = (plsc.load_gather(bitmap_v, [w]) & b) != 0

            @pl.when(jnp.any(hit))
            def _fix():
                def find_vec(tt, jv):
                    tokvec = tok_v[pl.ds(tt * _L, _L)]

                    def find_lane(e, jv):
                        tval = tokvec.at[jnp.full((_L,), e, jnp.int32)].get(
                            mode="promise_in_bounds")
                        return jnp.where(xv == tval, tt * _L + e, jv)

                    return lax.fori_loop(0, _L, find_lane, jv)

                jv = lax.fori_loop(0, ntok // _L, find_vec,
                                   jnp.zeros(_L, jnp.int32))
                row = v * _L + lane

                def copy_col(col, _):
                    cv = jnp.full((_L,), col, jnp.int32)
                    dval = plsc.load_gather(delta_v, [jv, cv], mask=hit)
                    plsc.store_scatter(rows_v, [row, cv], dval, mask=hit)
                    return 0

                lax.fori_loop(0, embed, copy_col, 0)

            return 0

        lax.fori_loop(0, _CHUNK // _L, check_vec, 0)
        pltpu.sync_copy(rows_v, out_hbm.at[pl.ds(base, _CHUNK)])
        return 0

    lax.fori_loop(0, n_chunks, do_chunk, 0)


def kernel(x, W, token_indices, delta):
    b, l = x.shape
    vocab, embed = W.shape
    ntok = token_indices.shape[0]
    n_total = b * l
    nbits_words = (vocab + 31) // 32

    xf = x.reshape(n_total).astype(jnp.int32)
    tok = token_indices.astype(jnp.int32)
    zeros = jnp.zeros((nbits_words,), jnp.int32)

    mesh = plsc.VectorSubcoreMesh(
        core_axis_name="c", subcore_axis_name="s",
        num_cores=_NC, num_subcores=_NS)

    body = functools.partial(_tt_kernel, n_total, ntok, embed, nbits_words)
    out = pl.kernel(
        body,
        out_type=jax.ShapeDtypeStruct((n_total, embed), jnp.float32),
        mesh=mesh,
        compiler_params=pltpu.CompilerParams(
            needs_layout_passes=False, use_tc_tiling_on_sc=False),
        scratch_types=[
            pltpu.VMEM((_CHUNK,), jnp.int32),
            pltpu.VMEM((_CHUNK, embed), jnp.float32),
            pltpu.VMEM((ntok,), jnp.int32),
            pltpu.VMEM((ntok, embed), jnp.float32),
            pltpu.VMEM((nbits_words,), jnp.int32),
            pltpu.SemaphoreType.DMA,
            pltpu.SemaphoreType.DMA,
        ],
    )(xf, tok, delta, W, zeros)
    return out.reshape(b, l, embed)

# --- scband reference (transcript-rebuilt; emitter-appended) ---
"""Pipeline reference for scband-trainable-tokens-layer-21620865368649 (READ-ONLY COPY).

The authoritative reference and input builder live on the scoring server;
editing this copy changes nothing except your own understanding.
"""

import jax, jax.numpy as jnp
import numpy as np

VOCAB = 1000000
EMBED = 64
B, L = 4096, 50
NTOK = 128

def setup_inputs(seed: int = 0) -> dict:
    key = jax.random.key(seed)
    k1, k2, k3, k4 = jax.random.split(key, 4)
    x = jax.random.randint(k1, (B, L), 0, VOCAB, dtype=jnp.int64) if jax.config.jax_enable_x64 else jax.random.randint(k1, (B, L), 0, VOCAB, dtype=jnp.int32)
    W = jax.random.normal(k2, (VOCAB, EMBED), dtype=jnp.float32) * 0.02
    token_indices = jax.random.randint(k3, (NTOK,), 0, VOCAB, dtype=x.dtype)
    delta = jax.random.normal(k4, (NTOK, EMBED), dtype=jnp.float32) * 0.02
    return {"x": x, "W": W, "token_indices": token_indices, "delta": delta}

def reference(x, W, token_indices, delta):
    # TrainableTokensLayer.forward_adapters with a single active adapter:
    #   W' = W.index_copy(0, token_indices, delta)  (scatter-overwrite of delta rows)
    #   result = F.embedding(x, W')                 (row gather)
    W_mod = W.at[token_indices].set(delta)
    return jnp.take(W_mod, x, axis=0)

if __name__ == "__main__":
    import jax
    _d = setup_inputs()
    print(jax.jit(kernel)(*tuple(_d.values())))

</pallas_src>

<mosaic_0001>
#map = affine_map<(d0, d1) -> (0)>
#map1 = affine_map<(d0, d1) -> (0, 0)>
module attributes {stable_mosaic.version = 14 : i64} {
  func.func @_tt_kernel(%arg0: i32, %arg1: i32, %arg2: memref<204800xi32, #tpu.memory_space<hbm>>, %arg3: memref<128xi32, #tpu.memory_space<hbm>>, %arg4: memref<128x64xf32, #tpu.memory_space<hbm>>, %arg5: memref<1000000x64xf32, #tpu.memory_space<hbm>>, %arg6: memref<31250xi32, #tpu.memory_space<hbm>>, %arg7: memref<204800x64xf32, #tpu.memory_space<hbm>>, %arg8: memref<128xi32, #tpu.memory_space<vmem>>, %arg9: memref<128x64xf32, #tpu.memory_space<vmem>>, %arg10: memref<128xi32, #tpu.memory_space<vmem>>, %arg11: memref<128x64xf32, #tpu.memory_space<vmem>>, %arg12: memref<31250xi32, #tpu.memory_space<vmem>>, %arg13: memref<!tpu.dma_semaphore, #tpu.memory_space<semaphore_mem>>, %arg14: memref<!tpu.dma_semaphore, #tpu.memory_space<semaphore_mem>>) attributes {dimension_semantics = [#tpu.dimension_semantics<core_parallel>, #tpu.dimension_semantics<subcore_parallel>], iteration_bounds = array<i64: 2, 16>, scalar_prefetch = 0 : i64, scratch_operands = 7 : i64, tpu.core_type = #tpu.core_type<sc_vector_subcore>, window_params = [{transform_indices = #map}, {transform_indices = #map}, {transform_indices = #map1}, {transform_indices = #map1}, {transform_indices = #map}, {transform_indices = #map1}]} {
    %mul3A = arith.constant 2 : i32
    %mul3A_0 = arith.muli %arg1, %mul3A : i32
    %add3A = arith.addi %mul3A_0, %arg0 : i32
    tpu.enqueue_dma source(%arg6 : memref<31250xi32, #tpu.memory_space<hbm>>) target(%arg12 : memref<31250xi32, #tpu.memory_space<vmem>>) target_semaphore(%arg14 : memref<!tpu.dma_semaphore, #tpu.memory_space<semaphore_mem>>)
    "tpu.region"() ({
      %run_scoped3A = tpu.sem_alloc : memref<!tpu.dma_semaphore, #tpu.memory_space<semaphore_mem>>
      tpu.enqueue_dma source(%arg3 : memref<128xi32, #tpu.memory_space<hbm>>) target(%arg10 : memref<128xi32, #tpu.memory_space<vmem>>) target_semaphore(%run_scoped3A : memref<!tpu.dma_semaphore, #tpu.memory_space<semaphore_mem>>)
      tpu.wait_dma2 semaphore(%run_scoped3A : memref<!tpu.dma_semaphore, #tpu.memory_space<semaphore_mem>>) src(%arg3 : memref<128xi32, #tpu.memory_space<hbm>>) dst(%arg10 : memref<128xi32, #tpu.memory_space<vmem>>)
      tpu.yield
    }) : () -> ()
    "tpu.region"() ({
      %run_scoped3A = tpu.sem_alloc : memref<!tpu.dma_semaphore, #tpu.memory_space<semaphore_mem>>
      tpu.enqueue_dma source(%arg4 : memref<128x64xf32, #tpu.memory_space<hbm>>) target(%arg11 : memref<128x64xf32, #tpu.memory_space<vmem>>) target_semaphore(%run_scoped3A : memref<!tpu.dma_semaphore, #tpu.memory_space<semaphore_mem>>)
      tpu.wait_dma2 semaphore(%run_scoped3A : memref<!tpu.dma_semaphore, #tpu.memory_space<semaphore_mem>>) src(%arg4 : memref<128x64xf32, #tpu.memory_space<hbm>>) dst(%arg11 : memref<128x64xf32, #tpu.memory_space<vmem>>)
      tpu.yield
    }) : () -> ()
    tpu.wait_dma2 semaphore(%arg14 : memref<!tpu.dma_semaphore, #tpu.memory_space<semaphore_mem>>) src(%arg6 : memref<31250xi32, #tpu.memory_space<hbm>>) dst(%arg12 : memref<31250xi32, #tpu.memory_space<vmem>>)
    %iota3A = tpu.iota {dimensions = array<i32: 0>} : vector<16xi32>
    %scan3A = arith.constant 0 : i32
    %scan3A_1 = arith.constant 0 : i32
    %scan3A_2 = arith.constant 128 : i32
    %scan3A_3 = arith.addi %scan3A_1, %scan3A_2 : i32
    %scan3A_4 = arith.constant 1 : i32
    %scan3A_5 = scf.for %scan3A_14 = %scan3A_1 to %scan3A_3 step %scan3A_4 iter_args(%scan3A_15 = %scan3A) -> (i32)  : i32 {
      %jit3A = arith.constant 16 : i32
      %div3A = arith.divsi %scan3A_14, %jit3A : i32
      %sign3A = arith.constant 0 : i32
      %sign3A_16 = arith.cmpi sgt, %scan3A_14, %sign3A : i32
      %sign3A_17 = arith.extui %sign3A_16 : i1 to i32
      %sign3A_18 = arith.constant 0 : i32
      %sign3A_19 = arith.cmpi slt, %scan3A_14, %sign3A_18 : i32
      %sign3A_20 = arith.extui %sign3A_19 : i1 to i32
      %sign3A_21 = arith.subi %sign3A_17, %sign3A_20 : i32
      %sign3A_22 = arith.constant 0 : i32
      %sign3A_23 = arith.cmpi sgt, %jit3A, %sign3A_22 : i32
      %sign3A_24 = arith.extui %sign3A_23 : i1 to i32
      %sign3A_25 = arith.constant 0 : i32
      %sign3A_26 = arith.cmpi slt, %jit3A, %sign3A_25 : i32
      %sign3A_27 = arith.extui %sign3A_26 : i1 to i32
      %sign3A_28 = arith.subi %sign3A_24, %sign3A_27 : i32
      %ne3A = arith.cmpi ne, %sign3A_21, %sign3A_28 : i32
      %rem3A = arith.remsi %scan3A_14, %jit3A : i32
      %ne3A_29 = arith.constant 0 : i32
      %ne3A_30 = arith.cmpi ne, %rem3A, %ne3A_29 : i32
      %and3A = arith.andi %ne3A, %ne3A_30 : i1
      %sub3A = arith.constant 1 : i32
      %sub3A_31 = arith.subi %div3A, %sub3A : i32
      %select_n3A = arith.select %and3A, %sub3A_31, %div3A : i32
      %mul3A_32 = arith.constant 16 : i32
      %mul3A_33 = arith.muli %select_n3A, %mul3A_32 : i32
      %get3A = arith.index_cast %mul3A_33 : i32 to index
      %get3A_34 = tpu.vector_load %arg10[%get3A] {strides = array<i32>} : memref<128xi32, #tpu.memory_space<vmem>>, vector<16xi32>,
      %shift_right_logical3A = arith.constant 5 : i32
      %shift_right_logical3A_35 = vector.broadcast %shift_right_logical3A : i32 to vector<16xi32>
      %shift_right_logical3A_36 = arith.shrui %get3A_34, %shift_right_logical3A_35 : vector<16xi32>
      %and3A_37 = arith.constant 31 : i32
      %and3A_38 = vector.broadcast %and3A_37 : i32 to vector<16xi32>
      %and3A_39 = arith.andi %get3A_34, %and3A_38 : vector<16xi32>
      %shift_left3A = arith.constant 1 : i32
      %shift_left3A_40 = vector.broadcast %shift_left3A : i32 to vector<16xi32>
      %shift_left3A_41 = arith.shli %shift_left3A_40, %and3A_39 : vector<16xi32>
      %jit3A_42 = arith.constant 16 : i32
      %eq3A = arith.constant 0 : i32
      %eq3A_43 = arith.cmpi eq, %jit3A_42, %eq3A : i32
      %jit3A_44 = arith.constant 1 : i32
      %select_n3A_45 = arith.select %eq3A_43, %jit3A_44, %jit3A_42 : i32
      %rem3A_46 = arith.remsi %scan3A_14, %select_n3A_45 : i32
      %ne3A_47 = arith.constant 0 : i32
      %ne3A_48 = arith.cmpi ne, %rem3A_46, %ne3A_47 : i32
      %lt3A = arith.constant 0 : i32
      %lt3A_49 = arith.cmpi slt, %rem3A_46, %lt3A : i32
      %lt3A_50 = arith.constant 0 : i32
      %lt3A_51 = arith.cmpi slt, %select_n3A_45, %lt3A_50 : i32
      %ne3A_52 = arith.xori %lt3A_49, %lt3A_51 : i1
      %and3A_53 = arith.andi %ne3A_52, %ne3A_48 : i1
      %add3A_54 = arith.addi %rem3A_46, %select_n3A_45 : i32
      %select_n3A_55 = arith.select %and3A_53, %add3A_54, %rem3A_46 : i32
      %eq3A_56 = vector.broadcast %select_n3A_55 : i32 to vector<16xi32>
      %eq3A_57 = arith.cmpi eq, %iota3A, %eq3A_56 : vector<16xi32>
      %gather3A = tpu.vector_load_idx %arg12[%shift_right_logical3A_36] masked %eq3A_57 : memref<31250xi32, #tpu.memory_space<vmem>>[vector<16xi32>], vector<16xi32>, vector<16xi1>
      %or3A = arith.ori %gather3A, %shift_left3A_41 : vector<16xi32>
      tpu.vector_store_idx %arg12[%shift_right_logical3A_36], %or3A masked %eq3A_57 : memref<31250xi32, #tpu.memory_space<vmem>>[vector<16xi32>], vector<16xi32>, vector<16xi1>
      %scan3A_58 = arith.constant 0 : i32
      scf.yield %scan3A_58 : i32
    }
    %scan3A_6 = arith.constant 128 : i32
    %scan3A_7 = arith.constant 0 : i32
    %scan3A_8 = arith.constant 0 : i32
    %scan3A_9 = arith.constant 50 : i32
    %scan3A_10 = arith.addi %scan3A_8, %scan3A_9 : i32
    %scan3A_11 = arith.constant 1 : i32
    %scan3A_12 = scf.for %scan3A_14 = %scan3A_8 to %scan3A_10 step %scan3A_11 iter_args(%scan3A_15 = %scan3A_7) -> (i32)  : i32 {
      %mul3A_16 = arith.constant 6400 : i32
      %mul3A_17 = arith.muli %add3A, %mul3A_16 : i32
      %mul3A_18 = arith.constant 128 : i32
      %mul3A_19 = arith.muli %scan3A_14, %mul3A_18 : i32
      %add3A_20 = arith.addi %mul3A_17, %mul3A_19 : i32
      "tpu.region"() ({
        %run_scoped3A = tpu.sem_alloc : memref<!tpu.dma_semaphore, #tpu.memory_space<semaphore_mem>>
        %dma_start3A_33 = tpu.memref_slice %arg2[%add3A_20] : memref<204800xi32, #tpu.memory_space<hbm>> -> memref<128xi32, #tpu.memory_space<hbm>>
        %dma_start3A_34 = tpu.memref_slice %arg2[%add3A_20] : memref<204800xi32, #tpu.memory_space<hbm>> -> memref<128xi32, #tpu.memory_space<hbm>>
        tpu.enqueue_dma source(%dma_start3A_34 : memref<128xi32, #tpu.memory_space<hbm>>) target(%arg8 : memref<128xi32, #tpu.memory_space<vmem>>) target_semaphore(%run_scoped3A : memref<!tpu.dma_semaphore, #tpu.memory_space<semaphore_mem>>)
        %dma_wait3A_35 = tpu.memref_slice %arg2[%add3A_20] : memref<204800xi32, #tpu.memory_space<hbm>> -> memref<128xi32, #tpu.memory_space<hbm>>
        %dma_wait3A_36 = tpu.memref_slice %arg2[%add3A_20] : memref<204800xi32, #tpu.memory_space<hbm>> -> memref<128xi32, #tpu.memory_space<hbm>>
        tpu.wait_dma2 semaphore(%run_scoped3A : memref<!tpu.dma_semaphore, #tpu.memory_space<semaphore_mem>>) src(%dma_wait3A_36 : memref<128xi32, #tpu.memory_space<hbm>>) dst(%arg8 : memref<128xi32, #tpu.memory_space<vmem>>)
        tpu.yield
      }) : () -> ()
      %dma_start3A = arith.constant 0 : i32
      %dma_start3A_21 = arith.constant 0 : i32
      %dma_start3A_22 = tpu.memref_slice %arg5[%dma_start3A, %dma_start3A_21] : memref<1000000x64xf32, #tpu.memory_space<hbm>> -> memref<1000000x64xf32, #tpu.memory_space<hbm>>
      tpu.enqueue_indirect_dma source(%dma_start3A_22 : memref<1000000x64xf32, #tpu.memory_space<hbm>>) target(%arg9 : memref<128x64xf32, #tpu.memory_space<vmem>>) offsets(%arg8 : memref<128xi32, #tpu.memory_space<vmem>>) semaphore(%arg13 : memref<!tpu.dma_semaphore, #tpu.memory_space<semaphore_mem>>)
      %dma_wait3A = arith.constant 0 : i32
      %dma_wait3A_23 = arith.constant 0 : i32
      %dma_wait3A_24 = tpu.memref_slice %arg5[%dma_wait3A, %dma_wait3A_23] : memref<1000000x64xf32, #tpu.memory_space<hbm>> -> memref<1000000x64xf32, #tpu.memory_space<hbm>>
      tpu.wait_indirect_dma semaphore(%arg13 : memref<!tpu.dma_semaphore, #tpu.memory_space<semaphore_mem>>) src(%dma_wait3A_24 : memref<1000000x64xf32, #tpu.memory_space<hbm>>) dst(%arg9 : memref<128x64xf32, #tpu.memory_space<vmem>>)
      %scan3A_25 = arith.constant 0 : i32
      %scan3A_26 = arith.constant 0 : i32
      %scan3A_27 = arith.constant 8 : i32
      %scan3A_28 = arith.addi %scan3A_26, %scan3A_27 : i32
      %scan3A_29 = arith.constant 1 : i32
      %scan3A_30 = scf.for %scan3A_33 = %scan3A_26 to %scan3A_28 step %scan3A_29 iter_args(%scan3A_34 = %scan3A_25) -> (i32)  : i32 {
        %mul3A_35 = arith.constant 16 : i32
        %mul3A_36 = arith.muli %scan3A_33, %mul3A_35 : i32
        %get3A = arith.index_cast %mul3A_36 : i32 to index
        %get3A_37 = tpu.vector_load %arg8[%get3A] {strides = array<i32>} : memref<128xi32, #tpu.memory_space<vmem>>, vector<16xi32>,
        %shift_right_logical3A = arith.constant 5 : i32
        %shift_right_logical3A_38 = vector.broadcast %shift_right_logical3A : i32 to vector<16xi32>
        %shift_right_logical3A_39 = arith.shrui %get3A_37, %shift_right_logical3A_38 : vector<16xi32>
        %and3A = arith.constant 31 : i32
        %and3A_40 = vector.broadcast %and3A : i32 to vector<16xi32>
        %and3A_41 = arith.andi %get3A_37, %and3A_40 : vector<16xi32>
        %shift_left3A = arith.constant 1 : i32
        %shift_left3A_42 = vector.broadcast %shift_left3A : i32 to vector<16xi32>
        %shift_left3A_43 = arith.shli %shift_left3A_42, %and3A_41 : vector<16xi32>
        %gather3A = tpu.vector_load_idx %arg12[%shift_right_logical3A_39] : memref<31250xi32, #tpu.memory_space<vmem>>[vector<16xi32>], vector<16xi32>,
        %and3A_44 = arith.andi %gather3A, %shift_left3A_43 : vector<16xi32>
        %ne3A = arith.constant 0 : i32
        %ne3A_45 = vector.broadcast %ne3A : i32 to vector<16xi32>
        %ne3A_46 = arith.cmpi ne, %and3A_44, %ne3A_45 : vector<16xi32>
        %reduce_or3A = arith.constant 1.000000e+00 : f32
        %reduce_or3A_47 = arith.constant 0.000000e+00 : f32
        %reduce_or3A_48 = vector.broadcast %reduce_or3A : f32 to vector<16xf32>
        %reduce_or3A_49 = vector.broadcast %reduce_or3A_47 : f32 to vector<16xf32>
        %reduce_or3A_50 = arith.select %ne3A_46, %reduce_or3A_48, %reduce_or3A_49 : vector<16xi1>, vector<16xf32>
        %reduce_or3A_51 = arith.constant true
        %reduce_or3A_52 = vector.broadcast %reduce_or3A_51 : i1 to vector<16xi1>
        %reduce_or3A_53 = tpu.scan <max>, %reduce_or3A_50 masked %reduce_or3A_52 : vector<16xf32>, vector<16xi1> -> vector<16xf32>
        %reduce_or3A_54 = vector.extract %reduce_or3A_53[15] : f32 from vector<16xf32>
        %reduce_or3A_55 = arith.constant 0.000000e+00 : f32
        %reduce_or3A_56 = arith.cmpf ogt, %reduce_or3A_54, %reduce_or3A_55 : f32
        %convert_element_type3A = arith.extui %reduce_or3A_56 : i1 to i32
        %cond3A = arith.constant 0 : i32
        %cond3A_57 = arith.cmpi ne, %convert_element_type3A, %cond3A : i32
        scf.if %cond3A_57 {
          %broadcast_in_dim3A = arith.constant 0 : i32
          %broadcast_in_dim3A_59 = vector.broadcast %broadcast_in_dim3A : i32 to vector<16xi32>
          %scan3A_60 = arith.constant 0 : i32
          %scan3A_61 = arith.constant 8 : i32
          %scan3A_62 = arith.addi %scan3A_60, %scan3A_61 : i32
          %scan3A_63 = arith.constant 1 : i32
          %scan3A_64 = scf.for %scan3A_77 = %scan3A_60 to %scan3A_62 step %scan3A_63 iter_args(%scan3A_78 = %broadcast_in_dim3A_59) -> (vector<16xi32>)  : i32 {
            %mul3A_79 = arith.constant 16 : i32
            %mul3A_80 = arith.muli %scan3A_77, %mul3A_79 : i32
            %get3A_81 = arith.index_cast %mul3A_80 : i32 to index
            %get3A_82 = tpu.vector_load %arg10[%get3A_81] {strides = array<i32>} : memref<128xi32, #tpu.memory_space<vmem>>, vector<16xi32>,
            %scan3A_83 = arith.constant 0 : i32
            %scan3A_84 = arith.constant 16 : i32
            %scan3A_85 = arith.addi %scan3A_83, %scan3A_84 : i32
            %scan3A_86 = arith.constant 1 : i32
            %scan3A_87 = scf.for %scan3A_89 = %scan3A_83 to %scan3A_85 step %scan3A_86 iter_args(%scan3A_90 = %scan3A_78) -> (vector<16xi32>)  : i32 {
              %broadcast_in_dim3A_91 = vector.broadcast %scan3A_89 : i32 to vector<16xi32>
              %lt3A = arith.constant 0 : i32
              %lt3A_92 = vector.broadcast %lt3A : i32 to vector<16xi32>
              %lt3A_93 = arith.cmpi slt, %broadcast_in_dim3A_91, %lt3A_92 : vector<16xi32>
              %add3A_94 = arith.constant 16 : i32
              %add3A_95 = vector.broadcast %add3A_94 : i32 to vector<16xi32>
              %add3A_96 = arith.addi %broadcast_in_dim3A_91, %add3A_95 : vector<16xi32>
              %select_n3A = arith.select %lt3A_93, %add3A_96, %broadcast_in_dim3A_91 : vector<16xi1>, vector<16xi32>
              %broadcast_in_dim3A_97 = vector.shape_cast %select_n3A : vector<16xi32> to vector<16x1xi32>
              %gather3A_98 = vector.shape_cast %broadcast_in_dim3A_97 : vector<16x1xi32> to vector<16xi32>
              %gather3A_99 = tpu.dynamic_gather %get3A_82[%gather3A_98] in [0] : vector<16xi32>, vector<16xi32> -> vector<16xi32>
              %eq3A = arith.cmpi eq, %get3A_37, %gather3A_99 : vector<16xi32>
              %mul3A_100 = arith.constant 16 : i32
              %mul3A_101 = arith.muli %scan3A_77, %mul3A_100 : i32
              %add3A_102 = arith.addi %mul3A_101, %scan3A_89 : i32
              %broadcast_in_dim3A_103 = vector.broadcast %add3A_102 : i32 to vector<16xi32>
              %select_n3A_104 = arith.select %eq3A, %broadcast_in_dim3A_103, %scan3A_90 : vector<16xi1>, vector<16xi32>
              scf.yield %select_n3A_104 : vector<16xi32>
            }
            %scan3A_88 = arith.constant 16 : i32
            scf.yield %scan3A_87 : vector<16xi32>
          }
          %scan3A_65 = arith.constant 8 : i32
          %mul3A_66 = arith.constant 16 : i32
          %mul3A_67 = arith.muli %scan3A_33, %mul3A_66 : i32
          %add3A_68 = vector.broadcast %mul3A_67 : i32 to vector<16xi32>
          %add3A_69 = arith.addi %add3A_68, %iota3A : vector<16xi32>
          %scan3A_70 = arith.constant 0 : i32
          %scan3A_71 = arith.constant 0 : i32
          %scan3A_72 = arith.constant 64 : i32
          %scan3A_73 = arith.addi %scan3A_71, %scan3A_72 : i32
          %scan3A_74 = arith.constant 1 : i32
          %scan3A_75 = scf.for %scan3A_77 = %scan3A_71 to %scan3A_73 step %scan3A_74 iter_args(%scan3A_78 = %scan3A_70) -> (i32)  : i32 {
            %broadcast_in_dim3A_79 = vector.broadcast %scan3A_77 : i32 to vector<16xi32>
            %gather3A_80 = tpu.vector_load_idx %arg11[%scan3A_64, %broadcast_in_dim3A_79] masked %ne3A_46 : memref<128x64xf32, #tpu.memory_space<vmem>>[vector<16xi32>, vector<16xi32>], vector<16xf32>, vector<16xi1>
            tpu.vector_store_idx %arg9[%add3A_69, %broadcast_in_dim3A_79], %gather3A_80 masked %ne3A_46 : memref<128x64xf32, #tpu.memory_space<vmem>>[vector<16xi32>, vector<16xi32>], vector<16xf32>, vector<16xi1>
            %scan3A_81 = arith.constant 0 : i32
            scf.yield %scan3A_81 : i32
          }
          %scan3A_76 = arith.constant 64 : i32
        } else {
        }
        %scan3A_58 = arith.constant 0 : i32
        scf.yield %scan3A_58 : i32
      }
      %scan3A_31 = arith.constant 8 : i32
      "tpu.region"() ({
        %run_scoped3A = tpu.sem_alloc : memref<!tpu.dma_semaphore, #tpu.memory_space<semaphore_mem>>
        %dma_start3A_33 = arith.constant 0 : i32
        %dma_start3A_34 = tpu.memref_slice %arg7[%add3A_20, %dma_start3A_33] : memref<204800x64xf32, #tpu.memory_space<hbm>> -> memref<128x64xf32, #tpu.memory_space<hbm>>
        %dma_start3A_35 = arith.constant 0 : i32
        %dma_start3A_36 = tpu.memref_slice %arg7[%add3A_20, %dma_start3A_35] : memref<204800x64xf32, #tpu.memory_space<hbm>> -> memref<128x64xf32, #tpu.memory_space<hbm>>
        tpu.enqueue_dma source(%arg9 : memref<128x64xf32, #tpu.memory_space<vmem>>) target(%dma_start3A_36 : memref<128x64xf32, #tpu.memory_space<hbm>>) target_semaphore(%run_scoped3A : memref<!tpu.dma_semaphore, #tpu.memory_space<semaphore_mem>>)
        %dma_wait3A_37 = arith.constant 0 : i32
        %dma_wait3A_38 = tpu.memref_slice %arg7[%add3A_20, %dma_wait3A_37] : memref<204800x64xf32, #tpu.memory_space<hbm>> -> memref<128x64xf32, #tpu.memory_space<hbm>>
        %dma_wait3A_39 = arith.constant 0 : i32
        %dma_wait3A_40 = tpu.memref_slice %arg7[%add3A_20, %dma_wait3A_39] : memref<204800x64xf32, #tpu.memory_space<hbm>> -> memref<128x64xf32, #tpu.memory_space<hbm>>
        tpu.wait_dma2 semaphore(%run_scoped3A : memref<!tpu.dma_semaphore, #tpu.memory_space<semaphore_mem>>) src(%arg9 : memref<128x64xf32, #tpu.memory_space<vmem>>) dst(%dma_wait3A_40 : memref<128x64xf32, #tpu.memory_space<hbm>>)
        tpu.yield
      }) : () -> ()
      %scan3A_32 = arith.constant 0 : i32
      scf.yield %scan3A_32 : i32
    }
    %scan3A_13 = arith.constant 50 : i32
    return
  }
}

</mosaic_0001>

<sc_bundles>
// kernel: kernel.3.cloned.1.call-start
scs
__scs_entry_jumppad:
0x0: {  	(pc) =	sbr.rel $0x88, $3  }
0x1: {  	(tag) =	ssettag $0x0;
	lr =	simm.s32 $0x1  }
0x2: {  	[smem:$0x3F9D] =	sst lr;
	_ =	strace $0xD0000000  }
0x3: {  	_ = 	snop  }
0x4: {  	_ = 	snop  }
0x5: {  	_ = 	snop  }
0x6: {  	_ = 	snop  }
0x7: {  	_ = 	snop  }
__scs_overlays_trampoline_lowered:
0x8: {  	[smem:$0x3FAC] =	sst s0  }
0x9: {  	[smem:$0x3FAD] =	sst s1  }
0xa: {  	[smem:$0x3FAE] =	sst s2  }
0xb: {  	[smem:$0x3FAF] =	sst s3  }
0xc: {  	[smem:$0x3FB0] =	sst s4  }
0xd: {  	[smem:$0x3FB1] =	sst s5  }
0xe: {  	[smem:$0x3FB2] =	sst s6  }
0xf: {  	[smem:$0x3FB3] =	sst s7  }
0x10: {  	[smem:$0x3FB4] =	sst s8  }
0x11: {  	[smem:$0x3FB5] =	sst s9;
	s0 =	simm.s32 @!p0 $0x0  }
0x12: {  	s1 =	sld [smem:$0x3F9B];
	s0 =	simm.s32 @p0 $0x1  }
0x13: {  	[smem:$0x3FB6] =	sst s0;
	s0 =	simm.s32 @!p1 $0x0  }
0x14: {  	s2 =	sld [smem:$0x3F9A];
	s0 =	simm.s32 @p1 $0x1  }
0x15: {  	[smem:$0x3FB7] =	sst s0;
	s0 =	simm.s32 @!p2 $0x0  }
0x16: {  	s3 =	sld [smem:$0x3FDB];
	s0 =	simm.s32 @p2 $0x1  }
0x17: {  	s4 =	simm.s32 $0x1BF5;
	[smem:$0x3FB9] =	sst s0  }
0x18: {  	s0 =	sld [smem:$0x3F9C];
	_ =	swait.ge [sflag:s4], $0x0  }
0x19: {  	s7 =	sld [smem:$0x3F9D]  }
0x1a: {  	s8 =	sadd.s32 $0xFFFFE003, lr  }
0x1b: {  	s9 =	sadd.s32 $0xFFFFFEF7, lr;
	s5 =	simm.s32 $0xFFFFFFFF;
	p2 =	slt.u32 s8, $0xFFFFF086  }
0x1c: {  	p1 =	slt.u32 s9, $0xF7A;
	s5 =	simm.s32 @!p2 $0x0  }
0x1d: {  	s5 =	simm.s32 @p1 $0x1;
	p0 =	seq.s32 s7, s2  }
0x1e: {  	s7 =	smul.u32 @!p0 $0xF7A, s2;
	p2 =	seq.s32 @!p0 s5, $0x0  }
0x1f: {  	s9 =	smul.u32 $0xF7A, s1;
	s8 =	simm.s32 @!p0 $0x1BF5;
	p2 =	por !p2, p0  }
0x20: {  	[sflag:s8] =	ssyncset.s32 @!p0 $0xFFFFF086;
	s6 =	sadd.s32 @!p0 s3, s7;
	s7 =	simm.s32 @!p0 $0x108  }
0x21: {  	s3 =	sadd.s32 s3, s9;
	s6 =	sadd.s32 @!p0 $0x88, s6;
	s7 =	simm.s32 @p2 $0x1082  }
0x22: {  	[simem:s7], [sflag:s8] =	dma.local @!p0 [hbm:s6], $0xF7A  }
0x23: {  	s9 =	sor.u32 $0xD0000000, s2;
	s6 =	simm.s32 $0x108;
	_ =	swait.ge @!p0 [sflag:s8], $0x0  }
0x24: {  	s3 =	sadd.s32 $0x88, s3;
	s6 =	simm.s32 @!p1 $0x1082;
	[sflag:s4] =	ssyncset.s32 $0xFFFFF086  }
0x25: {  	[simem:s6], [sflag:s4] =	dma.local [hbm:s3], $0xF7A  }
0x26: {  	[smem:$0x3F9D] =	sst s1;
	(tag) =	ssettag s2;
	_ =	strace s9  }
0x27: {  	s1 =	sld [smem:$0x3FAD]  }
0x28: {  	s2 =	sld [smem:$0x3FAE]  }
0x29: {  	s4 =	sld [smem:$0x3FB0]  }
0x2a: {  	p0 =	seq.s32 s5, $0x0;
	s5 =	sld [smem:$0x3FB1]  }
0x2b: {  	s6 =	sld [smem:$0x3FB2]  }
0x2c: {  	s7 =	sld [smem:$0x3FB3]  }
0x2d: {  	s3 =	simm.s32 $0x108;
	s8 =	sld [smem:$0x3FB4]  }
0x2e: {  	s3 =	simm.s32 @!p0 $0x1082;
	s9 =	sld [smem:$0x3FB5]  }
0x2f: {  	lr =	sadd.s32 s0, s3;
	s0 =	sld [smem:$0x3FAC]  }
0x30: {  	s3 =	sld [smem:$0x3FAF]  }
0x31: {  	[smem:$0x3FB8] =	sst s10  }
0x32: {  	s10 =	sld [smem:$0x3FB6];
	_ =	sdelay $0x3  }
0x33: {  	p0 =	seq.s32 s10, $0x1;
	s10 =	sld [smem:$0x3FB8];
	_ =	sdelay $0x3  }
0x34: {  	[smem:$0x3FB8] =	sst s10  }
0x35: {  	s10 =	sld [smem:$0x3FB7];
	_ =	sdelay $0x3  }
0x36: {  	p1 =	seq.s32 s10, $0x1;
	s10 =	sld [smem:$0x3FB8];
	_ =	sdelay $0x3  }
0x37: {  	[smem:$0x3FB8] =	sst s10  }
0x38: {  	s10 =	sld [smem:$0x3FB9]  }
0x39: {  	_ = 	snop;
	(pc) =	sbr.ind lr, $3  }
0x3a: {  	_ = 	snop  }
0x3b: {  	_ = 	snop  }
0x3c: {  	p2 =	seq.s32 s10, $0x1;
	s10 =	sld [smem:$0x3FB8]  }
0x3d: {  	_ =	shalt  }
0x3e: {  	_ =	shalt  }
0x3f: {  	_ =	shalt  }
0x40: {  	_ =	shalt  }
0x41: {  	_ =	shalt  }
0x42: {  	_ =	shalt  }
0x43: {  	_ =	shalt  }
0x44: {  	_ =	shalt  }
0x45: {  	_ =	shalt  }
0x46: {  	_ =	shalt  }
0x47: {  	_ =	shalt  }
0x48: {  	_ =	shalt  }
0x49: {  	_ =	shalt  }
0x4a: {  	_ =	shalt  }
0x4b: {  	_ =	shalt  }
0x4c: {  	_ =	shalt  }
0x4d: {  	_ =	shalt  }
0x4e: {  	_ =	shalt  }
0x4f: {  	_ =	shalt  }
0x50: {  	_ =	shalt  }
0x51: {  	_ =	shalt  }
0x52: {  	_ =	shalt  }
0x53: {  	_ =	shalt  }
0x54: {  	_ =	shalt  }
0x55: {  	_ =	shalt  }
0x56: {  	_ =	shalt  }
0x57: {  	_ =	shalt  }
0x58: {  	_ =	shalt  }
0x59: {  	_ =	shalt  }
0x5a: {  	_ =	shalt  }
0x5b: {  	_ =	shalt  }
0x5c: {  	_ =	shalt  }
0x5d: {  	_ =	shalt  }
0x5e: {  	_ =	shalt  }
0x5f: {  	_ =	shalt  }
0x60: {  	_ =	shalt  }
0x61: {  	_ =	shalt  }
0x62: {  	_ =	shalt  }
0x63: {  	_ =	shalt  }
0x64: {  	_ =	shalt  }
0x65: {  	_ =	shalt  }
0x66: {  	_ =	shalt  }
0x67: {  	_ =	shalt  }
0x68: {  	_ =	shalt  }
0x69: {  	_ =	shalt  }
0x6a: {  	_ =	shalt  }
0x6b: {  	_ =	shalt  }
0x6c: {  	_ =	shalt  }
0x6d: {  	_ =	shalt  }
0x6e: {  	_ =	shalt  }
0x6f: {  	_ =	shalt  }
0x70: {  	_ =	shalt  }
0x71: {  	_ =	shalt  }
0x72: {  	_ =	shalt  }
0x73: {  	_ =	shalt  }
0x74: {  	_ =	shalt  }
0x75: {  	_ =	shalt  }
0x76: {  	_ =	shalt  }
0x77: {  	_ =	shalt  }
0x78: {  	_ =	shalt  }
0x79: {  	_ =	shalt  }
0x7a: {  	_ =	shalt  }
0x7b: {  	_ =	shalt  }
0x7c: {  	_ =	shalt  }
0x7d: {  	_ =	shalt  }
0x7e: {  	_ =	shalt  }
0x7f: {  	_ =	shalt  }
0x80: {  	_ =	shalt  }
0x81: {  	_ =	shalt  }
0x82: {  	_ =	shalt  }
0x83: {  	_ =	shalt  }
0x84: {  	_ =	shalt  }
0x85: {  	_ =	shalt  }
0x86: {  	_ =	shalt  }
0x87: {  	_ =	shalt  }
.Lfunc_end0:
.L_simem_size_0:
called_computation.1_lowered:
.L_overlay_start_0:
0x88: {  	s2 =	sld [smem:$0x3FD9]  }
0x89: {  	s3 =	sld [smem:$0x3FFE];
	_ =	sdelay $0x1  }
0x8a: {  	s1 =	srdreg.scid  }
0x8b: {  	s0 =	sand.u32 $0x1, s1  }
0x8c: {  	s17 =	sshll.u32 s0, $0xA;
	s2 =	sadd.s32 s3, s2  }
0x8d: {  	s2 =	sadd.s32 s2, s17  }
0x8e: {  	[smem:$0x3FC4] =	sst s2  }
0x8f: {  	_ = 	snop  }
0x90: {  	s2 =	sld [smem:$0x3FC7]  }
0x91: {  	s18 =	sld [smem:$0x3FD0];
	(tm) =	ssettm $0x1  }
0x92: {  	s4 =	sld [smem:$0x3FFB];
	_ =	sdelay $0x3  }
0x93: {  	_ =	strace s4  }
0x94: {  	s4 =	sld [smem:$0x3FFC];
	_ =	sdelay $0x3  }
0x95: {  	_ =	strace s4  }
0x96: {  	s4 =	sld [smem:$0x3FFD];
	_ =	sdelay $0x3  }
0x97: {  	_ =	strace s4  }
0x98: {  	_ =	strace $0x8FFFFFFF  }
0x99: {  	s19 =	sld [smem:$0x3FDB];
	_ =	sdelay $0x1  }
0x9a: {  	s5 =	simm.s32 $_scs_section_size  }
0x9b: {  	s6 =	simm.s32 $_size__tile_overlayer_lowered;
	s7 =	simm.s32 $_tile_overlayer_lowered  }
0x9c: {  	s22 =	simm.s32 $0x1BFF;
	s21 =	sshll.u32 s7, $0x1;
	s4 =	sadd.s32 s5, s19  }
0x9d: {  	s8 =	simm.s32 $0x0;
	s20 =	sshll.u32 s6, $0x1;
	s6 =	sadd.s32 s21, s4  }
0x9e: {  	[timem:s8], [sflag:s22] =	dma.local [hbm:s6], s20  }
0x9f: {  	_ =	swait.ge [sflag:s22], s20  }
0xa0: {  	s5 =	ssub.s32 $0x0, s20;
	[sflag:s22] =	ssyncset.done $0x0  }
0xa1: {  	[sflag:s22] =	ssyncadd.s32 s5;
	_ =	sdelay $0x1  }
0xa2: {  	s23 =	simm.s32 $0x1B8B  }
0xa3: {  	_ =	swait.ge [sflag:s23], $0x1  }
0xa4: {  	[sflag:s23] =	ssyncset.done $0x0  }
0xa5: {  	s25 =	simm.s32 $0x1B8E;
	s24 =	sld [smem:$0x3FFE];
	[sflag:s23] =	ssyncadd.s32 $0xFFFFFFFF  }
0xa6: {  	s26 =	simm.s32 $execute0_lowered;
	[smem:$0x3FD2] =	sst s25  }
0xa7: {  	s6 =	sshll.u32 s26, $0x1;
	_ =	strace $0x80000046;
	[dreg:$0x1] =	wrdreg $0xFFFFFFFF  }
0xa8: {  	s28 =	simm.s32 $_size_execute0_lowered;
	s4 =	sadd.s32 s4, s6;
	[dreg:$0x0] =	wrdreg $0x0  }
0xa9: {  	s6 =	sshll.u32 s28, $0x1;
	[dreg:$0x2] =	wrdreg s4  }
0xaa: {  	[dreg:$0x3] =	wrdreg s6  }
0xab: {  	[dreg:$0x4] =	wrdreg $0xC0  }
0xac: {  	_ =	task [dreg:s8], $0x5FFFF  }
0xad: {  	[dreg:$0x1] =	wrdreg $0xFFFFFFFF  }
0xae: {  	[dreg:$0x0] =	wrdreg $0x60  }
0xaf: {  	[dreg:$0x2] =	wrdreg s24  }
0xb0: {  	[dreg:$0x3] =	wrdreg s2  }
0xb1: {  	[dreg:$0x4] =	wrdreg s18  }
0xb2: {  	[dreg:$0x5] =	wrdreg $0x9  }
0xb3: {  	_ =	task.clear_ibuf [dreg:s8], $0x6FFFF;
	_ =	strace $0x90000046  }
0xb4: {  	s29 =	simm.s32 $0x9;
	_ =	strace $0x80000048  }
0xb5: {  	_ =	swait.ge [sflag:s29], $0x1  }
0xb6: {  	[sflag:s29] =	ssyncadd.s32 $0xFFFFFFFF  }
0xb7: {  	_ =	strace $0x90000048  }
0xb8: {  	_ =	sfence  }
0xb9: {  	s30 =	sld [smem:$0x0];
	_ =	sdelay $0x2  }
0xba: {  	s31 =	sshll.u32 s1, $0xD;
	s1 =	sshrl.u32 s1, $0x2  }
0xbb: {  	s3 =	sand.u32 $0x4000, s31;
	s1 =	sadd.s32 s1, s30  }
0xbc: {  	s0 =	sor.u32 s3, s0;
	s1 =	sshll.u32 s1, $0x11  }
0xbd: {  	s0 =	sor.u32 s1, s0  }
0xbe: {  	s0 =	sadd.s32 $0x8F2B, s0  }
0xbf: {  	[sflag:s0] =	ssyncadd.remote.s32 $0x1  }
0xc0: {  	_ =	sfence.sel $0xFFFF  }
0xc1: {  	[dreg:$0x0] =	wrdreg $0xFFFFFFFF;
	(pc) =	sbr.abs _section_cstart, $3  }
0xc2: {  	[dreg:$0x1] =	wrdreg $0xFFFFFFFF  }
0xc3: {  	_ =	task.clear_ibuf [dreg:s8], $0x2FFFF;
	_ =	strace $0x9FFFFFFF  }
0xc4: {  	(tm) =	ssettm $0x7FFFFFFF  }
0xc5: {  	_ =	shalt  }
tec
execute0_lowered:
.L_overlay_start_1:
0x0: {  	(tag) =	ssettag $0x1  }
0x1: {  	s8 =	rddreg [dreg:$0x0]  }
0x2: {  	s1 =	rddreg [dreg:$0x1]  }
0x3: {  	s2 =	rddreg [dreg:$0x2]  }
0x4: {  	s0 =	rddreg [dreg:$0x3];
	s3 =	simm.s32 $0x0;
	s6 =	srdreg.scid  }
0x5: {  	s4 =	stileid.u32;
	s13 =	simm.s32 $0x3;
	s14 =	simm.s32 $0x2100  }
0x6: {  	s15 =	simm.s32 $0x2;
	s16 =	simm.s32 $0x80;
	s17 =	simm.s32 $0x1  }
0x7: {  	s18 =	simm.s32 $0x0;
	[smem:$0x7FF] =	sst s3;
	s5 =	sadd.s32 $0xC00, s8  }
.Ltmp0:
0x8: {  	s9 =	sand.u32 $0x1, s6;
	s6 =	sadd.s32 $0x7000, s8;
	(pc) =	sbr.rel .LBB2_1-.Ltmp0, $4  }
0x9: {  	s11 =	sshll.u32 s4, $0x1;
	s7 =	sadd.s32 $0xF43000, s8;
	s10 =	ssub.s32 $0x2, s9  }
0xa: {  	s8 =	sadd.s32 $0x7400, s8;
	_ =	strace $0x80000047;
	s12 =	sshrl.u32 s10, $0x1  }
0xb: {  	v0 =	vlaneseq.u32;
	s9 =	sor.u32 s9, s11;
	s11 =	simm.s32 $0x4100;
	s10 =	ssub.s32 s10, s12  }
0xc: {  	v1 =	vimm.s32 $0x1;
	v2 =	vimm.f32 $0.0e+00;
	v3 =	vmul.u32 $0x40, v0;
	s9 =	smul.u32 $0x1900, s9;
	s12 =	simm.s32 $0x2080;
	s10 =	smax.u32 s10, $0x1  }
.LBB2_14:
0xd: {  	s18 =	sadd.s32 $0x1, s18  }
0xe: {  	p0 =	sne.s32 s18, s10  }
.Ltmp1:
0xf: {  	_ = 	snop;
	(pc) =	sbr.rel @!p0 .LBB2_15-.Ltmp1, $1  }
0x10: {  	_ =	sdelay $0x3  }
.LBB2_1:
0x11: {  	[tilespmem:s11], [sflag:$0x2] =	stream.linear.gather [hbm4b:s8+s3], $0x7A18, $0x38;
	[tilespmem:$0xBB18] =	vst v63  }
0x12: {  	_ = 	snop  }
0x13: {  	[tilespmem:s12], [sflag:$0x3] =	stream.linear.gather [hbm4b:s1+s3], $0x80, $0x38;
	[tilespmem:$0xBB18] =	vst v63  }
0x14: {  	_ =	swait.ge [sflag:s13], $0x80  }
0x15: {  	[sflag:s13] =	ssyncset.done $0x0  }
0x16: {  	[sflag:s13] =	ssyncadd.s32 $0xFFFFFF80  }
0x17: {  	[tilespmem:s14], [sflag:$0x3] =	stream.linear.gather [hbm4b:s6+s3], $0x2000, $0x38;
	[tilespmem:$0xBB18] =	vst v63  }
0x18: {  	_ =	swait.ge [sflag:s13], $0x2000  }
0x19: {  	[sflag:s13] =	ssyncset.done $0x0  }
0x1a: {  	[sflag:s13] =	ssyncadd.s32 $0xFFFFE000  }
0x1b: {  	_ =	swait.ge [sflag:s15], $0x7A18  }
0x1c: {  	s19 =	sand.u32 $0x1C0, s3;
	[sflag:s15] =	ssyncset.done $0x0  }
0x1d: {  	s19 =	sshrl.u32 s19, $0x2;
	[sflag:s15] =	ssyncadd.s32 $0xFFFF85E8  }
0x1e: {  	v5 =	vld [tilespmem:s19+$0x2080];
	_ =	sdelay $0x1  }
0x1f: {  	s31 =	sand.u32 $0xF, s3  }
0x20: {  	v4 =	vmov s31  }
0x21: {  	vm0 =	veq.s32 v4, v0  }
0x22: {  	v4 =	vshrl.u32 v5, $0x5;
	_ =	sdelay $0x4  }
0x23: {  	v6 =	vld.idx.msk [tilespmem:v4+s11+$0x0], vm0;
	_ =	sdelay $0x2  }
0x24: {  	v5 =	vand.u32 $0x1F, v5  }
0x25: {  	s20 =	simm.s32 $0x4;
	v5 =	vshll.u32 v1, v5  }
0x26: {  	s21 =	simm.s32 $0x2;
	s22 =	sand.u32 $0x1C0, s20;
	s19 =	simm.s32 $0x1;
	v5 =	vor.u32 v6, v5  }
.LBB2_2:
0x27: {  	p0 =	sne.s32 s21, $0x7F;
	s22 =	sshrl.u32 s22, $0x2;
	[tilespmem:v4+s11+$0x0] =	vst.idx.msk vm0, v5  }
0x28: {  	v5 =	vld [tilespmem:s22+$0x2080];
	_ =	sdelay $0x1  }
0x29: {  	s22 =	sand.u32 $0xF, s19;
	s19 =	smov.u32 s21  }
0x2a: {  	v4 =	vmov s22  }
0x2b: {  	vm0 =	veq.s32 v4, v0  }
0x2c: {  	v4 =	vshrl.u32 v5, $0x5;
	_ =	sdelay $0x4  }
0x2d: {  	v6 =	vld.idx.msk [tilespmem:v4+s11+$0x0], vm0;
	_ =	sdelay $0x1  }
.Ltmp2:
0x2e: {  	(pc) =	sbr.rel @p0 .LBB2_2-.Ltmp2, $4  }
0x2f: {  	_ = 	snop  }
0x30: {  	v5 =	vand.u32 $0x1F, v5  }
0x31: {  	s20 =	sadd.s32 $0x4, s20;
	v5 =	vshll.u32 v1, v5  }
0x32: {  	s21 =	sadd.s32 $0x1, s21;
	s22 =	sand.u32 $0x1C0, s20;
	v5 =	vor.u32 v6, v5  }
0x33: {  	_ =	sdelay $0x4  }
0x34: {  	s20 =	sshrl.u32 s22, $0x2;
	[tilespmem:v4+s11+$0x0] =	vst.idx.msk vm0, v5  }
0x35: {  	v4 =	vld [tilespmem:s20+$0x2080];
	_ =	sdelay $0x1  }
0x36: {  	s19 =	sand.u32 $0xF, s19  }
0x37: {  	v5 =	vmov s19  }
0x38: {  	vm15 =	veq.s32 v5, v0  }
0x39: {  	v5 =	vshrl.u32 v4, $0x5;
	_ =	sdelay $0x4  }
0x3a: {  	v6 =	vld.idx.msk [tilespmem:v5+s11+$0x0], vm15;
	_ =	sdelay $0x1  }
.Ltmp3:
0x3b: {  	_ = 	snop;
	(pc) =	sbr.rel .LBB2_4-.Ltmp3, $4  }
0x3c: {  	v4 =	vand.u32 $0x1F, v4  }
0x3d: {  	v4 =	vshll.u32 v1, v4  }
0x3e: {  	v4 =	vor.u32 v6, v4  }
0x3f: {  	s19 =	simm.s32 $0x0;
	s20 =	simm.s32 $0x0;
	[tilespmem:v5+s11+$0x0] =	vst.idx.msk vm15, v4  }
.LBB2_13:
0x40: {  	s20 =	sadd.s32 $0x1, s20  }
0x41: {  	s21 =	sshll.u32 s21, $0x3;
	p0 =	sne.s32 s20, $0x32  }
.Ltmp4:
0x42: {  	s21 =	sadd.s32 s2, s21;
	(pc) =	sbr.rel @!p0 .LBB2_14-.Ltmp4, $4  }
0x43: {  	[hbm4b:s21+s3] =	stream.linear.scatter [tilespmem:s16], [sflag:$0x3], $0x2000, $0x38;
	[tilespmem:$0xBB18] =	vst v63  }
0x44: {  	_ =	swait.ge [sflag:s13], $0x2000  }
0x45: {  	[sflag:s13] =	ssyncset.done $0x0  }
0x46: {  	[sflag:s13] =	ssyncadd.s32 $0xFFFFE000  }
.LBB2_4:
0x47: {  	s21 =	sshll.u32 s20, $0x7  }
0x48: {  	s21 =	sadd.s32 s9, s21  }
0x49: {  	s22 =	sshrl.u32 s21, $0x3  }
0x4a: {  	s22 =	sadd.s32 s5, s22  }
0x4b: {  	[tilespmem:s19], [sflag:$0x3] =	stream.linear.gather [hbm4b:s22+s19], $0x80, $0x38;
	[tilespmem:$0xBB18] =	vst v63  }
0x4c: {  	_ =	swait.ge [sflag:s13], $0x80  }
0x4d: {  	[sflag:s13] =	ssyncset.done $0x0  }
.Ltmp5:
0x4e: {  	[sflag:s13] =	ssyncadd.s32 $0xFFFFFF80;
	(pc) =	sbr.rel .LBB2_5-.Ltmp5, $4  }
0x4f: {  	[tilespmem:s16], [sflag:$0x1] =	stream.indirect.gather [hbm4b:s7+s16], $0x40, s19, s16, $0xb8;
	[tilespmem:$0xBB18] =	vst v63  }
0x50: {  	_ =	swait.ge [sflag:s17], $0x2000  }
0x51: {  	[sflag:s17] =	ssyncset.done $0x0  }
0x52: {  	s22 =	simm.s32 $0x0;
	[sflag:s17] =	ssyncadd.s32 $0xFFFFE000  }
.LBB2_12:
0x53: {  	s22 =	sadd.s32 $0x1, s22  }
0x54: {  	p0 =	sne.s32 s22, $0x8  }
.Ltmp6:
0x55: {  	_ = 	snop;
	(pc) =	sbr.rel @!p0 .LBB2_13-.Ltmp6, $1  }
0x56: {  	_ =	sdelay $0x3  }
.LBB2_5:
0x57: {  	s23 =	sshll.u32 s22, $0x4  }
0x58: {  	v4 =	vld [tilespmem:s23+$0x0];
	_ =	sdelay $0x4  }
0x59: {  	v5 =	vshrl.u32 v4, $0x5;
	_ =	sdelay $0x4  }
0x5a: {  	v5 =	vld.idx.msk [tilespmem:v5+s11+$0x0], $0xffff;
	_ =	sdelay $0x2  }
0x5b: {  	v6 =	vand.u32 $0x1F, v4  }
0x5c: {  	v6 =	vshll.u32 v1, v6  }
0x5d: {  	v5 =	vand.u32 v5, v6  }
0x5e: {  	vm0 =	vne.s32 v5, $0x0  }
0x5f: {  	v5 =	vsel vm0, $0x3F800000, v2  }
0x60: {  	(xrf0) =	vmax.scan.msk.f32 $0xffff, v5;
	_ =	sdelay $0x5  }
0x61: {  	v5, _, _ =	vpop (xrf0)  }
0x62: {  	(v2sf) =	vpush v5, $0xF;
	_ =	sdelay $0xe  }
0x63: {  	s24 =	spop (v2sf)  }
0x64: {  	p0 =	sgt.f32 s24, $0.0e+00  }
.Ltmp7:
0x65: {  	_ = 	snop;
	(pc) =	sbr.rel @!p0 .LBB2_12-.Ltmp7, $2  }
0x66: {  	_ =	sdelay $0x2  }
0x67: {  	s25 =	simm.s32 $0x0;
	s26 =	simm.s32 $0x0;
	v5 =	vimm.s32 $0x0;
	s24 =	simm.s32 $0x0  }
.LBB2_6:
0x68: {  	s28 =	sshll.u32 s26, $0x4  }
0x69: {  	v6 =	vld [tilespmem:s28+$0x2080];
	_ =	sdelay $0x3  }
0x6a: {  	v7 =	vmov s24  }
0x6b: {  	v7 =	vperm.xlane v6, v7;
	_ =	sdelay $0x1  }
0x6c: {  	s29 =	sadd.s32 $0x0, s25;
	s28 =	simm.s32 $0x1;
	vm1 =	veq.s32 v4, v7  }
.LBB2_7:
0x6d: {  	p0 =	sne.s32 s28, $0xF;
	v5 =	vsel vm1, s29, v5;
	s29 =	smov.u32 s28;
	s28 =	sadd.s32 $0x1, s28  }
.Ltmp8:
0x6e: {  	(pc) =	sbr.rel @p0 .LBB2_7-.Ltmp8, $3  }
0x6f: {  	v7 =	vmov s29  }
0x70: {  	v7 =	vperm.xlane v6, v7;
	_ =	sdelay $0x1  }
0x71: {  	s29 =	sadd.s32 s29, s25;
	vm1 =	veq.s32 v4, v7  }
0x72: {  	s26 =	sadd.s32 $0x1, s26  }
0x73: {  	p0 =	sne.s32 s26, $0x8  }
.Ltmp9:
0x74: {  	_ = 	snop;
	(pc) =	sbr.rel @p0 .LBB2_6-.Ltmp9, $2  }
0x75: {  	_ =	sdelay $0x2  }
0x76: {  	v5 =	vsel vm1, s29, v5;
	s25 =	sadd.s32 $0x10, s25  }
0x77: {  	s24 =	simm.s32 $0x0  }
0x78: {  	v6 =	vmov s24  }
0x79: {  	v8 =	vmov s23;
	v4 =	vshll.u32 v5, $0x6;
	v7 =	vand.u32 $0x38, v6  }
0x7a: {  	v5 =	vshll.u32 v8, $0x6;
	v6 =	vand.u32 $0x7, v6;
	v8 =	vor.u32 v4, v7  }
0x7b: {  	v9 =	vor.u32 v6, v8;
	_ =	sdelay $0x2  }
0x7c: {  	s31 =	simm.s32 $0x1  }
0x7d: {  	s23 =	simm.s32 $0x2;
	v5 =	vor.u32 v3, v5;
	v8 =	vmov s31  }
.LBB2_10:
0x7e: {  	p0 =	sne.s32 s23, $0x3F;
	v10 =	vld.idx.msk [tilespmem:v9+s14+$0x0], vm0;
	v9 =	vor.u32 v5, v7;
	v7 =	vand.u32 $0x38, v8  }
0x7f: {  	v11 =	vor.u32 v4, v7;
	v12 =	vor.u32 v6, v9;
	v6 =	vand.u32 $0x7, v8  }
.Ltmp10:
0x80: {  	v9 =	vor.u32 v6, v11;
	(pc) =	sbr.rel @p0 .LBB2_10-.Ltmp10, $2  }
0x81: {  	_ =	sdelay $0x2  }
0x82: {  	v8 =	vmov s23;
	s23 =	sadd.s32 $0x1, s23;
	[tilespmem:v12+s16+$0x0] =	vst.idx.msk vm0, v10  }
0x83: {  	_ =	sdelay $0x3  }
0x84: {  	v10 =	vand.u32 $0x38, v8;
	v7 =	vor.u32 v5, v7  }
0x85: {  	v9 =	vld.idx.msk [tilespmem:v9+s14+$0x0], vm0;
	v63 =	vand.u32 $0x7, v8;
	v4 =	vor.u32 v4, v10;
	v6 =	vor.u32 v6, v7  }
0x86: {  	v4 =	vor.u32 v63, v4;
	_ =	sdelay $0x3  }
0x87: {  	v5 =	vor.u32 v5, v10;
	[tilespmem:v6+s16+$0x0] =	vst.idx.msk vm0, v9  }
0x88: {  	v5 =	vor.u32 v63, v5;
	v4 =	vld.idx.msk [tilespmem:v4+s14+$0x0], vm0  }
.Ltmp11:
0x89: {  	_ = 	snop;
	(pc) =	sbr.rel .LBB2_12-.Ltmp11, $2  }
0x8a: {  	_ =	sdelay $0x2  }
0x8b: {  	[tilespmem:v5+s16+$0x0] =	vst.idx.msk vm0, v4  }
.LBB2_15:
0x8c: {  	_ =	sfence.sel $0x180000  }
0x8d: {  	[bflag:$0x0] =	sbarrier.arrive $0xFFFF  }
0x8e: {  	p0 =	sne.s32 s4, $0x0;
	_ =	strace $0x90000047  }
0x8f: {  	s0 =	sadd.s32 @!p0 $0x100000, s0;
	[bflag:$0x2] =	sbarrier.arrive $0xFFFF  }
0x90: {  	[sflag:s0] =	ssyncadd.tile.s32 @!p0 $0x1;
	_ =	shalt  }
.Lfunc_end2:
_tile_overlayer_lowered:
.L_overlay_start_2:
0x91: {  	(tag) =	ssettag $0x2  }
0x92: {  	s0 =	rddreg [dreg:$0x0];
	s2 =	stileid.u32  }
0x93: {  	s1 =	rddreg [dreg:$0x1];
	p0 =	sne.s32 s2, $0x0  }
0x94: {  	s3 =	rddreg [dreg:$0x2];
	[bflag:$0x3] =	sbarrier.arrive $0xFFFF;
	s2 =	simm.s32 @!p0 $0x1C03  }
0x95: {  	[timem:s3], [sflag:s2] =	dma.local @!p0 [hbm:s0], s1  }
0x96: {  	s0 =	simm.s32 @!p0 $0x3  }
0x97: {  	_ =	swait.ge @!p0 [sflag:s0], s1  }
0x98: {  	s1 =	ssub.s32 @!p0 $0x0, s1;
	[sflag:s0] =	ssyncset.done @!p0 $0x0  }
0x99: {  	[sflag:s0] =	ssyncadd.s32 @!p0 s1  }
0x9a: {  	[bflag:$0x3] =	sbarrier.arrive $0xFFFF  }
0x9b: {  	_ =	shalt  }

// kernel: sparse-core-data-format-call.cloned.1.call-start
scs
called_computation_lowered:
.L_overlay_start_0:
0x0: {  	s2 =	sld [smem:$0x3FD9]  }
0x1: {  	s3 =	sld [smem:$0x3FFE];
	_ =	sdelay $0x1  }
0x2: {  	s1 =	srdreg.scid  }
0x3: {  	s0 =	sand.u32 $0x1, s1  }
0x4: {  	s18 =	sshll.u32 s0, $0xA;
	s2 =	sadd.s32 s3, s2  }
0x5: {  	s2 =	sadd.s32 s2, s18  }
0x6: {  	[smem:$0x3FC4] =	sst s2  }
0x7: {  	_ = 	snop  }
0x8: {  	s2 =	sld [smem:$0x3FD0];
	(tm) =	ssettm $0x1  }
0x9: {  	s19 =	sld [smem:$0x3FFB];
	_ =	sdelay $0x3  }
0xa: {  	_ =	strace s19  }
0xb: {  	s3 =	sld [smem:$0x3FFC];
	_ =	sdelay $0x3  }
0xc: {  	_ =	strace s3  }
0xd: {  	s3 =	sld [smem:$0x3FFD];
	_ =	sdelay $0x3  }
0xe: {  	_ =	strace s3  }
0xf: {  	_ =	strace $0x8FFFFFFF  }
0x10: {  	s20 =	sld [smem:$0x3FDB];
	_ =	sdelay $0x1  }
0x11: {  	s4 =	simm.s32 $_scs_section_size  }
0x12: {  	s5 =	simm.s32 $_size__tile_overlayer_lowered;
	s6 =	simm.s32 $_tile_overlayer_lowered  }
0x13: {  	s23 =	simm.s32 $0x1BFF;
	s22 =	sshll.u32 s6, $0x1;
	s3 =	sadd.s32 s4, s20  }
0x14: {  	s7 =	simm.s32 $0x0;
	s21 =	sshll.u32 s5, $0x1;
	s5 =	sadd.s32 s22, s3  }
0x15: {  	[timem:s7], [sflag:s23] =	dma.local [hbm:s5], s21  }
0x16: {  	_ =	swait.ge [sflag:s23], s21  }
0x17: {  	s4 =	ssub.s32 $0x0, s21;
	[sflag:s23] =	ssyncset.done $0x0  }
0x18: {  	[sflag:s23] =	ssyncadd.s32 s4;
	_ =	sdelay $0x1  }
0x19: {  	s24 =	simm.s32 $0x1B8B  }
0x1a: {  	_ =	swait.ge [sflag:s24], $0x1  }
0x1b: {  	[sflag:s24] =	ssyncset.done $0x0  }
0x1c: {  	s26 =	simm.s32 $0x1B8E;
	s25 =	sld [smem:$0x3FFE];
	[sflag:s24] =	ssyncadd.s32 $0xFFFFFFFF  }
0x1d: {  	s27 =	simm.s32 $execute0_lowered;
	[smem:$0x3FD2] =	sst s26  }
0x1e: {  	s5 =	sshll.u32 s27, $0x1;
	_ =	strace $0x80000049;
	[dreg:$0x1] =	wrdreg $0xFFFFFFFF  }
0x1f: {  	s28 =	simm.s32 $_size_execute0_lowered;
	s3 =	sadd.s32 s3, s5;
	[dreg:$0x0] =	wrdreg $0x0  }
0x20: {  	s5 =	sshll.u32 s28, $0x1;
	[dreg:$0x2] =	wrdreg s3  }
0x21: {  	[dreg:$0x3] =	wrdreg s5  }
0x22: {  	[dreg:$0x4] =	wrdreg $0xC0  }
0x23: {  	_ =	task [dreg:s7], $0x5FFFF  }
0x24: {  	[dreg:$0x1] =	wrdreg $0xFFFFFFFF  }
0x25: {  	[dreg:$0x0] =	wrdreg $0x60  }
0x26: {  	[dreg:$0x2] =	wrdreg s25  }
0x27: {  	[dreg:$0x3] =	wrdreg s2  }
0x28: {  	[dreg:$0x4] =	wrdreg $0x9  }
0x29: {  	_ =	task.clear_ibuf [dreg:s7], $0x5FFFF;
	_ =	strace $0x90000049  }
0x2a: {  	s29 =	simm.s32 $0x9;
	_ =	strace $0x8000004B  }
0x2b: {  	_ =	swait.ge [sflag:s29], $0x1  }
0x2c: {  	[sflag:s29] =	ssyncadd.s32 $0xFFFFFFFF  }
0x2d: {  	_ =	strace $0x9000004B  }
0x2e: {  	_ =	sfence  }
0x2f: {  	s30 =	sld [smem:$0x0];
	_ =	sdelay $0x2  }
0x30: {  	s31 =	sshll.u32 s1, $0xD;
	s1 =	sshrl.u32 s1, $0x2  }
0x31: {  	s3 =	sand.u32 $0x4000, s31;
	s1 =	sadd.s32 s1, s30  }
0x32: {  	s0 =	sor.u32 s3, s0;
	s1 =	sshll.u32 s1, $0x11  }
0x33: {  	s0 =	sor.u32 s1, s0  }
0x34: {  	s0 =	sadd.s32 $0x8F2B, s0  }
0x35: {  	[sflag:s0] =	ssyncadd.remote.s32 $0x1  }
0x36: {  	_ =	sfence.sel $0xFFFF  }
0x37: {  	[dreg:$0x0] =	wrdreg $0xFFFFFFFF;
	(pc) =	sbr.abs _section_cstart, $3  }
0x38: {  	[dreg:$0x1] =	wrdreg $0xFFFFFFFF  }
0x39: {  	_ =	task.clear_ibuf [dreg:s7], $0x2FFFF;
	_ =	strace $0x9FFFFFFF  }
0x3a: {  	(tm) =	ssettm $0x7FFFFFFF  }
0x3b: {  	_ =	shalt  }
tec
execute0_lowered:
.L_overlay_start_1:
0x0: {  	(tag) =	ssettag $0x1  }
0x1: {  	s0 =	srdreg.scid  }
0x2: {  	s1 =	sshll.u32 s0, $0x4  }
0x3: {  	s0 =	stileid.u32;
	s1 =	sand.u32 $0x10, s1  }
0x4: {  	s1 =	sor.u32 s0, s1  }
0x5: {  	s6 =	rddreg [dreg:$0x0];
	s4 =	simm.s32 $0x1;
	s2 =	sshll.u32 s1, $0x7  }
0x6: {  	s7 =	simm.s32 $0x2;
	s12 =	simm.s32 $0x0;
	s1 =	ssub.s32 $0x1000, s2  }
0x7: {  	s8 =	simm.s32 $0x8000;
	s13 =	simm.s32 $0x0;
	s3 =	sand.u32 $0xF80, s1  }
0x8: {  	s9 =	simm.s32 $0x0;
	s5 =	sshrl.u32 s1, $0xC;
	p0 =	sne.s32 s3, $0x0  }
.Ltmp0:
0x9: {  	s1 =	rddreg [dreg:$0x2];
	s4 =	simm.s32 @!p0 $0x0;
	(pc) =	sbr.rel .LBB1_1-.Ltmp0, $4  }
0xa: {  	s11 =	simm.s32 $0x0;
	s3 =	rddreg [dreg:$0x1];
	s5 =	sadd.s32 s4, s5  }
0xb: {  	_ =	strace $0x8000004A;
	s4 =	simm.s32 $0x1;
	s5 =	smul.u32 $0x32, s5  }
0xc: {  	s6 =	sadd.s32 $0xC00, s6;
	s10 =	smov.u32 s2;
	[sflag:s4] =	ssyncpa.u1 $0x0  }
0xd: {  	p0 =	por $0x0, $0x0;
	[sflag:s7] =	ssyncpa.u1 $0x0;
	s7 =	sor.u32 $0x1, s5  }
.LBB1_4:
0xe: {  	s16 =	sshll.u32 s13, $0x3;
	s17 =	sand.u32 $0x78, s13  }
0xf: {  	s30 =	sand.u32 $0x7E00, s13;
	s12 =	sshll.u32 s12, $0xF;
	s16 =	sand.u32 $0xC00, s16  }
0x10: {  	[tilespmem:s15+$0x810 ss:$0x81] =	vst.msk $0xffff, v2;
	s31 =	sand.u32 $0x7, s13;
	s16 =	sor.u32 s17, s16;
	s17 =	sadd.s32 s3, s30  }
0x11: {  	[tilespmem:s15+$0x1020 ss:$0x81] =	vst.msk $0xffff, v0;
	s13 =	sshll.u32 s31, $0x12;
	s12 =	sadd.s32 s12, s17;
	s16 =	sshrl.u32 s16, $0x3  }
0x12: {  	[tilespmem:s15+$0x0 ss:$0x81] =	vst.msk $0xffff, v1;
	s13 =	sor.u32 $0x400, s13;
	s12 =	sadd.s32 s16, s12  }
0x13: {  	[hbm4b:s12+s13] =	stream.strided.scatter [tilespmem:s14], [sflag:$0x2], $0x2000, s8, s13, $0x20;
	[tilespmem:$0x8080] =	vst v63  }
.LBB1_5:
0x14: {  	s14 =	sadd.s32 $0x1, s9  }
0x15: {  	s12 =	sadd.s32 $0x1000, s10;
	s16 =	smov.u32 s10;
	p2 =	sgt.s32 s14, $0x31  }
0x16: {  	s16 =	smov.u32 @p2 s12  }
0x17: {  	s14 =	simm.s32 @p2 $0x0;
	p2 =	sgt.s32 s16, $0xFFF  }
0x18: {  	s16 =	smov.u32 @p2 s2;
	p2 =	sne.s32 s11, s7  }
.Ltmp1:
0x19: {  	p1 =	slt.u32 s11, $0x2;
	(pc) =	sbr.rel @!p2 .LBB1_6-.Ltmp1, $4  }
0x1a: {  	s15 =	simm.s32 @!p1 $0x2  }
0x1b: {  	s13 =	smov.u32 s10;
	p0 =	por !p0, !p0;
	_ =	swait.ge @!p1 [sflag:s15], $0x2000  }
0x1c: {  	s12 =	smov.u32 s9;
	[sflag:s15] =	ssyncset.done @!p1 $0x0;
	s9 =	smov.u32 s14  }
0x1d: {  	s11 =	sadd.s32 $0x1, s11;
	[sflag:s15] =	ssyncadd.s32 @!p1 $0xFFFFE000;
	s10 =	smov.u32 s16  }
.LBB1_1:
0x1e: {  	p1 =	sge.u32 s11, s5  }
0x1f: {  	s14 =	sand.u32 @!p1 $0x1FFFFFF, s9  }
0x20: {  	s15 =	smulhi.u32 @!p1 $0x4924925, s14;
	_ =	sdelay $0x1  }
0x21: {  	s15 =	smul.u32 @!p1 $0x38, s15  }
0x22: {  	s16 =	sxor.u32 @!p1 $0xFFFFFFFF, s11;
	s17 =	smul.u32 @!p1 $0x380, s10  }
0x23: {  	s31 =	sadd.s32 $0xFFFFFFFF, s11;
	s16 =	sshll.u32 @!p1 s16, $0xD;
	s14 =	ssub.s32 @!p1 s14, s15  }
0x24: {  	s15 =	sand.u32 @!p1 $0x2000, s16;
	s16 =	sadd.s32 @!p1 s6, s17;
	s14 =	sshll.u32 @!p1 s14, $0x4  }
0x25: {  	s17 =	simm.s32 @!p1 $0x1C00;
	s14 =	sadd.s32 @!p1 s14, s16;
	s16 =	simm.s32 @!p1 $0x40  }
0x26: {  	[tilespmem:s15], [sflag:$0x1] =	stream.strided.gather @!p1 [hbm4b:s14+s16], $0x2000, s17, s16, $0x38;
	[tilespmem:$0x8080] =	vst v63  }
0x27: {  	p1 =	sge.u32 s31, s5  }
.Ltmp2:
0x28: {  	_ = 	snop;
	(pc) =	sbr.rel @p1 .LBB1_5-.Ltmp2, $1  }
0x29: {  	_ =	sdelay $0x3  }
0x2a: {  	s14 =	simm.s32 $0x1  }
0x2b: {  	_ =	swait.ge [sflag:s4], $0x2000;
	s14 =	simm.s32 @!p0 $0x0  }
0x2c: {  	[sflag:s4] =	ssyncset.done $0x0;
	s15 =	sshll.u32 s14, $0xD  }
0x2d: {  	[sflag:s4] =	ssyncadd.s32 $0xFFFFE000;
	s18 =	sor.u32 $0x20, s15  }
0x2e: {  	s14 =	smul.u32 $0x8100, s14;
	v3 =	vld [tilespmem:s18+$0x10]  }
0x2f: {  	s30 =	sand.u32 $0x1, s11;
	v2 =	vld [tilespmem:s18+$0xFFFFFFF0]  }
0x30: {  	s15 =	smul.u32 $0x8100, s30;
	s14 =	sshrl.u32 s14, $0x2;
	v0 =	vld [tilespmem:s18+$0x0]  }
0x31: {  	v1 =	vld [tilespmem:s18+$0xFFFFFFE0];
	s16 =	sor.u32 $0x4000, s14  }
0x32: {  	s31 =	sshrl.u32 s15, $0x2;
	s15 =	sadd.s32 $0x0, s16  }
0x33: {  	s17 =	simm.s32 $0x4;
	s18 =	sadd.s32 $0x40, s18;
	s14 =	sor.u32 $0x4000, s31;
	[tilespmem:s15+$0x1830 ss:$0x81] =	vst.msk $0xffff, v3  }
.LBB1_3:
0x34: {  	v3 =	vld [tilespmem:s18+$0x10];
	p1 =	sne.s32 s17, $0x1FC;
	[tilespmem:s15+$0x810 ss:$0x81] =	vst.msk $0xffff, v2;
	s19 =	smov.u32 s17;
	s17 =	sadd.s32 $0x4, s17  }
.Ltmp3:
0x35: {  	v2 =	vld [tilespmem:s18+$0xFFFFFFF0];
	[tilespmem:s15+$0x1020 ss:$0x81] =	vst.msk $0xffff, v0;
	(pc) =	sbr.rel @p1 .LBB1_3-.Ltmp3, $4  }
0x36: {  	v0 =	vld [tilespmem:s18+$0x0];
	[tilespmem:s15+$0x0 ss:$0x81] =	vst.msk $0xffff, v1  }
0x37: {  	s15 =	sshra.s32 s19, $0x2;
	v1 =	vld [tilespmem:s18+$0xFFFFFFE0]  }
0x38: {  	s15 =	sadd.s32 s15, s16  }
0x39: {  	s18 =	sadd.s32 $0x40, s18;
	[tilespmem:s15+$0x1830 ss:$0x81] =	vst.msk $0xffff, v3  }
.Ltmp4:
0x3a: {  	_ = 	snop;
	(pc) =	sbr.rel .LBB1_4-.Ltmp4, $1  }
0x3b: {  	_ =	sdelay $0x3  }
.LBB1_6:
0x3c: {  	_ =	sfence.sel $0x180000  }
0x3d: {  	s2 =	simm.s32 $0x1;
	[bflag:$0x0] =	sbarrier.arrive $0xFFFF  }
0x3e: {  	s31 =	simm.s32 $0x2;
	[sflag:s2] =	ssyncpa.u1 $0x1  }
0x3f: {  	[sflag:s31] =	ssyncpa.u1 $0x1  }
0x40: {  	p0 =	sne.s32 s0, $0x0;
	_ =	strace $0x9000004A  }
0x41: {  	s0 =	sadd.s32 @!p0 $0x100000, s1;
	[bflag:$0x2] =	sbarrier.arrive $0xFFFF  }
0x42: {  	[sflag:s0] =	ssyncadd.tile.s32 @!p0 $0x1;
	_ =	shalt  }
.Lfunc_end1:
_tile_overlayer_lowered:
.L_overlay_start_2:
0x43: {  	(tag) =	ssettag $0x2  }
0x44: {  	s0 =	rddreg [dreg:$0x0];
	s2 =	stileid.u32  }
0x45: {  	s1 =	rddreg [dreg:$0x1];
	p0 =	sne.s32 s2, $0x0  }
0x46: {  	s3 =	rddreg [dreg:$0x2];
	[bflag:$0x3] =	sbarrier.arrive $0xFFFF;
	s2 =	simm.s32 @!p0 $0x1C01  }
0x47: {  	[timem:s3], [sflag:s2] =	dma.local @!p0 [hbm:s0], s1  }
0x48: {  	s0 =	simm.s32 @!p0 $0x1  }
0x49: {  	_ =	swait.ge @!p0 [sflag:s0], s1  }
0x4a: {  	s1 =	ssub.s32 @!p0 $0x0, s1;
	[sflag:s0] =	ssyncset.done @!p0 $0x0  }
0x4b: {  	[sflag:s0] =	ssyncadd.s32 @!p0 s1  }
0x4c: {  	[bflag:$0x3] =	sbarrier.arrive $0xFFFF  }
0x4d: {  	_ =	shalt  }

</sc_bundles>
